<compile_context>
chip_gen: v7x
topology: tpu7x:2x2x1
jax: 0.10.2.dev20260603
libtpu: 0.0.44.dev20260713+nightly
codegen_flags: <defaults>
</compile_context>

<pallas_src>
import jax
import jax.numpy as jnp
from jax import lax
from jax.experimental import pallas as pl
from jax.experimental.pallas import tpu as pltpu
from jax.experimental.pallas import tpu_sc as plsc

_BATCH = 16384
_LANES = 16
_PAD_TO = 1000448
_GB_AT = 1000000

_info = plsc.get_sparse_core_info()
_NC = _info.num_cores
_NS = _info.num_subcores
_NW = _NC * _NS
_BPW = _BATCH // _NW


def _bias_body(u_hbm, i_hbm, ub_hbm, ib_hbm, out_hbm,
               uidx_v, iidx_v, urows_v, irows_v, gb_v, usem, isem):
    wid = lax.axis_index("s") * _NC + lax.axis_index("c")
    base = wid * _BPW

    uicopy = pltpu.async_copy(u_hbm.at[pl.ds(base, _BPW)], uidx_v, usem)
    iicopy = pltpu.async_copy(i_hbm.at[pl.ds(base, _BPW)], iidx_v, isem)

    pltpu.sync_copy(ub_hbm.at[pl.ds(_GB_AT, _LANES)], gb_v)
    g = gb_v[...]

    uicopy.wait()
    ucopy = pltpu.async_copy(ub_hbm.at[uidx_v], urows_v, usem)
    iicopy.wait()
    icopy = pltpu.async_copy(ib_hbm.at[iidx_v], irows_v, isem)

    ucopy.wait()
    icopy.wait()

    for j in range(_BPW // _LANES):
        sl = pl.ds(j * _LANES, _LANES)
        urows_v[sl] = urows_v[sl] + irows_v[sl] + g

    pltpu.sync_copy(urows_v, out_hbm.at[pl.ds(base, _BPW)])


@jax.jit
def _bias(u_id, i_id, user_bias, item_bias, global_bias):
    ub = jnp.pad(user_bias, ((0, _PAD_TO - user_bias.shape[0]), (0, 0)),
                 constant_values=global_bias[0]).reshape(-1)
    ib = jnp.pad(item_bias, ((0, _PAD_TO - item_bias.shape[0]), (0, 0))).reshape(-1)
    return pl.kernel(
        _bias_body,
        out_type=jax.ShapeDtypeStruct((_BATCH,), jnp.float32),
        mesh=plsc.VectorSubcoreMesh(core_axis_name="c", subcore_axis_name="s"),
        scratch_types=[
            pltpu.VMEM((_BPW,), jnp.int32),
            pltpu.VMEM((_BPW,), jnp.int32),
            pltpu.VMEM((_BPW,), jnp.float32),
            pltpu.VMEM((_BPW,), jnp.float32),
            pltpu.VMEM((_LANES,), jnp.float32),
            pltpu.SemaphoreType.DMA,
            pltpu.SemaphoreType.DMA,
        ],
    )(u_id, i_id, ub, ib)


def kernel(u_id, i_id, user_bias, item_bias, global_bias):
    return _bias(u_id.astype(jnp.int32), i_id.astype(jnp.int32),
                 user_bias, item_bias, global_bias)

# --- scband reference (transcript-rebuilt; emitter-appended) ---
"""Pipeline reference for scband-bias-35296041238953 (READ-ONLY COPY).

The authoritative reference and input builder live on the scoring server;
editing this copy changes nothing except your own understanding.
"""

import jax, jax.numpy as jnp
import numpy as np

USER_SIZE = 1000000
ITEM_SIZE = 1000000
BATCH = 16384
RATING_MEAN = 3.53


def setup_inputs(seed: int = 0) -> dict:
    key = jax.random.key(seed)
    k1, k2, k3, k4 = jax.random.split(key, 4)
    u_id = jax.random.randint(k1, (BATCH,), 0, USER_SIZE, dtype=jnp.int64 if jax.config.jax_enable_x64 else jnp.int32)
    i_id = jax.random.randint(k2, (BATCH,), 0, ITEM_SIZE, dtype=jnp.int64 if jax.config.jax_enable_x64 else jnp.int32)
    user_bias = jax.random.normal(k3, (USER_SIZE, 1), dtype=jnp.float32) * 0.1
    item_bias = jax.random.normal(k4, (ITEM_SIZE, 1), dtype=jnp.float32) * 0.1
    global_bias = jnp.asarray([RATING_MEAN], dtype=jnp.float32)
    return {"u_id": u_id, "i_id": i_id, "user_bias": user_bias, "item_bias": item_bias, "global_bias": global_bias}


def reference(u_id, i_id, user_bias, item_bias, global_bias):
    # u_b = self.user_bias(u_id).view(-1)
    u_b = jnp.take(user_bias, u_id, axis=0).reshape(-1)
    # i_b = self.item_bias(i_id).view(-1)
    i_b = jnp.take(item_bias, i_id, axis=0).reshape(-1)
    # return u_b + i_b + self.global_bias  (broadcasts [1] over [B])
    return u_b + i_b + global_bias

if __name__ == "__main__":
    import jax
    _d = setup_inputs()
    print(jax.jit(kernel)(*tuple(_d.values())))

</pallas_src>

<mosaic_0001>
#map = affine_map<(d0, d1) -> (0)>
module attributes {stable_mosaic.version = 14 : i64} {
  func.func @_bias_body(%arg0: i32, %arg1: i32, %arg2: memref<16384xi32, #tpu.memory_space<hbm>>, %arg3: memref<16384xi32, #tpu.memory_space<hbm>>, %arg4: memref<1000448xf32, #tpu.memory_space<hbm>>, %arg5: memref<1000448xf32, #tpu.memory_space<hbm>>, %arg6: memref<16384xf32, #tpu.memory_space<hbm>>, %arg7: memref<512xi32, #tpu.memory_space<vmem>>, %arg8: memref<512xi32, #tpu.memory_space<vmem>>, %arg9: memref<512xf32, #tpu.memory_space<vmem>>, %arg10: memref<512xf32, #tpu.memory_space<vmem>>, %arg11: memref<16xf32, #tpu.memory_space<vmem>>, %arg12: memref<!tpu.dma_semaphore, #tpu.memory_space<semaphore_mem>>, %arg13: memref<!tpu.dma_semaphore, #tpu.memory_space<semaphore_mem>>) attributes {dimension_semantics = [#tpu.dimension_semantics<core_parallel>, #tpu.dimension_semantics<subcore_parallel>], iteration_bounds = array<i64: 2, 16>, scalar_prefetch = 0 : i64, scratch_operands = 7 : i64, tpu.core_type = #tpu.core_type<sc_vector_subcore>, window_params = [{transform_indices = #map}, {transform_indices = #map}, {transform_indices = #map}, {transform_indices = #map}, {transform_indices = #map}]} {
    %mul3A = arith.constant 2 : i32
    %mul3A_0 = arith.muli %arg1, %mul3A : i32
    %add3A = arith.addi %mul3A_0, %arg0 : i32
    %mul3A_1 = arith.constant 512 : i32
    %mul3A_2 = arith.muli %add3A, %mul3A_1 : i32
    %dma_start3A = tpu.memref_slice %arg2[%mul3A_2] : memref<16384xi32, #tpu.memory_space<hbm>> -> memref<512xi32, #tpu.memory_space<hbm>>
    %dma_start3A_3 = tpu.memref_slice %arg2[%mul3A_2] : memref<16384xi32, #tpu.memory_space<hbm>> -> memref<512xi32, #tpu.memory_space<hbm>>
    tpu.enqueue_dma source(%dma_start3A_3 : memref<512xi32, #tpu.memory_space<hbm>>) target(%arg7 : memref<512xi32, #tpu.memory_space<vmem>>) target_semaphore(%arg12 : memref<!tpu.dma_semaphore, #tpu.memory_space<semaphore_mem>>)
    %dma_start3A_4 = tpu.memref_slice %arg3[%mul3A_2] : memref<16384xi32, #tpu.memory_space<hbm>> -> memref<512xi32, #tpu.memory_space<hbm>>
    %dma_start3A_5 = tpu.memref_slice %arg3[%mul3A_2] : memref<16384xi32, #tpu.memory_space<hbm>> -> memref<512xi32, #tpu.memory_space<hbm>>
    tpu.enqueue_dma source(%dma_start3A_5 : memref<512xi32, #tpu.memory_space<hbm>>) target(%arg8 : memref<512xi32, #tpu.memory_space<vmem>>) target_semaphore(%arg13 : memref<!tpu.dma_semaphore, #tpu.memory_space<semaphore_mem>>)
    "tpu.region"() ({
      %run_scoped3A = tpu.sem_alloc : memref<!tpu.dma_semaphore, #tpu.memory_space<semaphore_mem>>
      %dma_start3A_402 = arith.constant 1000000 : i32
      %dma_start3A_403 = tpu.memref_slice %arg4[%dma_start3A_402] : memref<1000448xf32, #tpu.memory_space<hbm>> -> memref<16xf32, #tpu.memory_space<hbm>>
      %dma_start3A_404 = arith.constant 1000000 : i32
      %dma_start3A_405 = tpu.memref_slice %arg4[%dma_start3A_404] : memref<1000448xf32, #tpu.memory_space<hbm>> -> memref<16xf32, #tpu.memory_space<hbm>>
      tpu.enqueue_dma source(%dma_start3A_405 : memref<16xf32, #tpu.memory_space<hbm>>) target(%arg11 : memref<16xf32, #tpu.memory_space<vmem>>) target_semaphore(%run_scoped3A : memref<!tpu.dma_semaphore, #tpu.memory_space<semaphore_mem>>)
      %dma_wait3A_406 = arith.constant 1000000 : i32
      %dma_wait3A_407 = tpu.memref_slice %arg4[%dma_wait3A_406] : memref<1000448xf32, #tpu.memory_space<hbm>> -> memref<16xf32, #tpu.memory_space<hbm>>
      %dma_wait3A_408 = arith.constant 1000000 : i32
      %dma_wait3A_409 = tpu.memref_slice %arg4[%dma_wait3A_408] : memref<1000448xf32, #tpu.memory_space<hbm>> -> memref<16xf32, #tpu.memory_space<hbm>>
      tpu.wait_dma2 semaphore(%run_scoped3A : memref<!tpu.dma_semaphore, #tpu.memory_space<semaphore_mem>>) src(%dma_wait3A_409 : memref<16xf32, #tpu.memory_space<hbm>>) dst(%arg11 : memref<16xf32, #tpu.memory_space<vmem>>)
      tpu.yield
    }) : () -> ()
    %get3A = arith.constant 0 : index
    %get3A_6 = tpu.vector_load %arg11[%get3A] {strides = array<i32>} : memref<16xf32, #tpu.memory_space<vmem>>, vector<16xf32>,
    %get3A_7 = vector.shape_cast %get3A_6 : vector<16xf32> to vector<16xf32>
    %dma_wait3A = tpu.memref_slice %arg2[%mul3A_2] : memref<16384xi32, #tpu.memory_space<hbm>> -> memref<512xi32, #tpu.memory_space<hbm>>
    %dma_wait3A_8 = tpu.memref_slice %arg2[%mul3A_2] : memref<16384xi32, #tpu.memory_space<hbm>> -> memref<512xi32, #tpu.memory_space<hbm>>
    tpu.wait_dma2 semaphore(%arg12 : memref<!tpu.dma_semaphore, #tpu.memory_space<semaphore_mem>>) src(%dma_wait3A_8 : memref<512xi32, #tpu.memory_space<hbm>>) dst(%arg7 : memref<512xi32, #tpu.memory_space<vmem>>)
    %dma_start3A_9 = arith.constant 0 : i32
    %dma_start3A_10 = tpu.memref_slice %arg4[%dma_start3A_9] : memref<1000448xf32, #tpu.memory_space<hbm>> -> memref<1000448xf32, #tpu.memory_space<hbm>>
    tpu.enqueue_indirect_dma source(%dma_start3A_10 : memref<1000448xf32, #tpu.memory_space<hbm>>) target(%arg9 : memref<512xf32, #tpu.memory_space<vmem>>) offsets(%arg7 : memref<512xi32, #tpu.memory_space<vmem>>) semaphore(%arg12 : memref<!tpu.dma_semaphore, #tpu.memory_space<semaphore_mem>>)
    %dma_wait3A_11 = tpu.memref_slice %arg3[%mul3A_2] : memref<16384xi32, #tpu.memory_space<hbm>> -> memref<512xi32, #tpu.memory_space<hbm>>
    %dma_wait3A_12 = tpu.memref_slice %arg3[%mul3A_2] : memref<16384xi32, #tpu.memory_space<hbm>> -> memref<512xi32, #tpu.memory_space<hbm>>
    tpu.wait_dma2 semaphore(%arg13 : memref<!tpu.dma_semaphore, #tpu.memory_space<semaphore_mem>>) src(%dma_wait3A_12 : memref<512xi32, #tpu.memory_space<hbm>>) dst(%arg8 : memref<512xi32, #tpu.memory_space<vmem>>)
    %dma_start3A_13 = arith.constant 0 : i32
    %dma_start3A_14 = tpu.memref_slice %arg5[%dma_start3A_13] : memref<1000448xf32, #tpu.memory_space<hbm>> -> memref<1000448xf32, #tpu.memory_space<hbm>>
    tpu.enqueue_indirect_dma source(%dma_start3A_14 : memref<1000448xf32, #tpu.memory_space<hbm>>) target(%arg10 : memref<512xf32, #tpu.memory_space<vmem>>) offsets(%arg8 : memref<512xi32, #tpu.memory_space<vmem>>) semaphore(%arg13 : memref<!tpu.dma_semaphore, #tpu.memory_space<semaphore_mem>>)
    %dma_wait3A_15 = arith.constant 0 : i32
    %dma_wait3A_16 = tpu.memref_slice %arg4[%dma_wait3A_15] : memref<1000448xf32, #tpu.memory_space<hbm>> -> memref<1000448xf32, #tpu.memory_space<hbm>>
    tpu.wait_indirect_dma semaphore(%arg12 : memref<!tpu.dma_semaphore, #tpu.memory_space<semaphore_mem>>) src(%dma_wait3A_16 : memref<1000448xf32, #tpu.memory_space<hbm>>) dst(%arg9 : memref<512xf32, #tpu.memory_space<vmem>>)
    %dma_wait3A_17 = arith.constant 0 : i32
    %dma_wait3A_18 = tpu.memref_slice %arg5[%dma_wait3A_17] : memref<1000448xf32, #tpu.memory_space<hbm>> -> memref<1000448xf32, #tpu.memory_space<hbm>>
    tpu.wait_indirect_dma semaphore(%arg13 : memref<!tpu.dma_semaphore, #tpu.memory_space<semaphore_mem>>) src(%dma_wait3A_18 : memref<1000448xf32, #tpu.memory_space<hbm>>) dst(%arg10 : memref<512xf32, #tpu.memory_space<vmem>>)
    %get3A_19 = arith.constant 0 : index
    %get3A_20 = tpu.vector_load %arg9[%get3A_19] {strides = array<i32>} : memref<512xf32, #tpu.memory_space<vmem>>, vector<16xf32>,
    %get3A_21 = vector.shape_cast %get3A_20 : vector<16xf32> to vector<16xf32>
    %get3A_22 = arith.constant 0 : index
    %get3A_23 = tpu.vector_load %arg10[%get3A_22] {strides = array<i32>} : memref<512xf32, #tpu.memory_space<vmem>>, vector<16xf32>,
    %get3A_24 = vector.shape_cast %get3A_23 : vector<16xf32> to vector<16xf32>
    %add3A_25 = arith.addf %get3A_21, %get3A_24 : vector<16xf32>
    %add3A_26 = arith.addf %add3A_25, %get3A_7 : vector<16xf32>
    %swap3A = arith.constant 0 : index
    %swap3A_27 = tpu.vector_load %arg9[%swap3A] {strides = array<i32>} : memref<512xf32, #tpu.memory_space<vmem>>, vector<16xf32>,
    %swap3A_28 = vector.shape_cast %swap3A_27 : vector<16xf32> to vector<16xf32>
    %swap3A_29 = vector.shape_cast %add3A_26 : vector<16xf32> to vector<16xf32>
    tpu.vector_store %arg9[%swap3A], %swap3A_29 {strides = array<i32>} : memref<512xf32, #tpu.memory_space<vmem>>, vector<16xf32>,
    %get3A_30 = arith.constant 16 : index
    %get3A_31 = tpu.vector_load %arg9[%get3A_30] {strides = array<i32>} : memref<512xf32, #tpu.memory_space<vmem>>, vector<16xf32>,
    %get3A_32 = vector.shape_cast %get3A_31 : vector<16xf32> to vector<16xf32>
    %get3A_33 = arith.constant 16 : index
    %get3A_34 = tpu.vector_load %arg10[%get3A_33] {strides = array<i32>} : memref<512xf32, #tpu.memory_space<vmem>>, vector<16xf32>,
    %get3A_35 = vector.shape_cast %get3A_34 : vector<16xf32> to vector<16xf32>
    %add3A_36 = arith.addf %get3A_32, %get3A_35 : vector<16xf32>
    %add3A_37 = arith.addf %add3A_36, %get3A_7 : vector<16xf32>
    %swap3A_38 = arith.constant 16 : index
    %swap3A_39 = tpu.vector_load %arg9[%swap3A_38] {strides = array<i32>} : memref<512xf32, #tpu.memory_space<vmem>>, vector<16xf32>,
    %swap3A_40 = vector.shape_cast %swap3A_39 : vector<16xf32> to vector<16xf32>
    %swap3A_41 = vector.shape_cast %add3A_37 : vector<16xf32> to vector<16xf32>
    tpu.vector_store %arg9[%swap3A_38], %swap3A_41 {strides = array<i32>} : memref<512xf32, #tpu.memory_space<vmem>>, vector<16xf32>,
    %get3A_42 = arith.constant 32 : index
    %get3A_43 = tpu.vector_load %arg9[%get3A_42] {strides = array<i32>} : memref<512xf32, #tpu.memory_space<vmem>>, vector<16xf32>,
    %get3A_44 = vector.shape_cast %get3A_43 : vector<16xf32> to vector<16xf32>
    %get3A_45 = arith.constant 32 : index
    %get3A_46 = tpu.vector_load %arg10[%get3A_45] {strides = array<i32>} : memref<512xf32, #tpu.memory_space<vmem>>, vector<16xf32>,
    %get3A_47 = vector.shape_cast %get3A_46 : vector<16xf32> to vector<16xf32>
    %add3A_48 = arith.addf %get3A_44, %get3A_47 : vector<16xf32>
    %add3A_49 = arith.addf %add3A_48, %get3A_7 : vector<16xf32>
    %swap3A_50 = arith.constant 32 : index
    %swap3A_51 = tpu.vector_load %arg9[%swap3A_50] {strides = array<i32>} : memref<512xf32, #tpu.memory_space<vmem>>, vector<16xf32>,
    %swap3A_52 = vector.shape_cast %swap3A_51 : vector<16xf32> to vector<16xf32>
    %swap3A_53 = vector.shape_cast %add3A_49 : vector<16xf32> to vector<16xf32>
    tpu.vector_store %arg9[%swap3A_50], %swap3A_53 {strides = array<i32>} : memref<512xf32, #tpu.memory_space<vmem>>, vector<16xf32>,
    %get3A_54 = arith.constant 48 : index
    %get3A_55 = tpu.vector_load %arg9[%get3A_54] {strides = array<i32>} : memref<512xf32, #tpu.memory_space<vmem>>, vector<16xf32>,
    %get3A_56 = vector.shape_cast %get3A_55 : vector<16xf32> to vector<16xf32>
    %get3A_57 = arith.constant 48 : index
    %get3A_58 = tpu.vector_load %arg10[%get3A_57] {strides = array<i32>} : memref<512xf32, #tpu.memory_space<vmem>>, vector<16xf32>,
    %get3A_59 = vector.shape_cast %get3A_58 : vector<16xf32> to vector<16xf32>
    %add3A_60 = arith.addf %get3A_56, %get3A_59 : vector<16xf32>
    %add3A_61 = arith.addf %add3A_60, %get3A_7 : vector<16xf32>
    %swap3A_62 = arith.constant 48 : index
    %swap3A_63 = tpu.vector_load %arg9[%swap3A_62] {strides = array<i32>} : memref<512xf32, #tpu.memory_space<vmem>>, vector<16xf32>,
    %swap3A_64 = vector.shape_cast %swap3A_63 : vector<16xf32> to vector<16xf32>
    %swap3A_65 = vector.shape_cast %add3A_61 : vector<16xf32> to vector<16xf32>
    tpu.vector_store %arg9[%swap3A_62], %swap3A_65 {strides = array<i32>} : memref<512xf32, #tpu.memory_space<vmem>>, vector<16xf32>,
    %get3A_66 = arith.constant 64 : index
    %get3A_67 = tpu.vector_load %arg9[%get3A_66] {strides = array<i32>} : memref<512xf32, #tpu.memory_space<vmem>>, vector<16xf32>,
    %get3A_68 = vector.shape_cast %get3A_67 : vector<16xf32> to vector<16xf32>
    %get3A_69 = arith.constant 64 : index
    %get3A_70 = tpu.vector_load %arg10[%get3A_69] {strides = array<i32>} : memref<512xf32, #tpu.memory_space<vmem>>, vector<16xf32>,
    %get3A_71 = vector.shape_cast %get3A_70 : vector<16xf32> to vector<16xf32>
    %add3A_72 = arith.addf %get3A_68, %get3A_71 : vector<16xf32>
    %add3A_73 = arith.addf %add3A_72, %get3A_7 : vector<16xf32>
    %swap3A_74 = arith.constant 64 : index
    %swap3A_75 = tpu.vector_load %arg9[%swap3A_74] {strides = array<i32>} : memref<512xf32, #tpu.memory_space<vmem>>, vector<16xf32>,
    %swap3A_76 = vector.shape_cast %swap3A_75 : vector<16xf32> to vector<16xf32>
    %swap3A_77 = vector.shape_cast %add3A_73 : vector<16xf32> to vector<16xf32>
    tpu.vector_store %arg9[%swap3A_74], %swap3A_77 {strides = array<i32>} : memref<512xf32, #tpu.memory_space<vmem>>, vector<16xf32>,
    %get3A_78 = arith.constant 80 : index
    %get3A_79 = tpu.vector_load %arg9[%get3A_78] {strides = array<i32>} : memref<512xf32, #tpu.memory_space<vmem>>, vector<16xf32>,
    %get3A_80 = vector.shape_cast %get3A_79 : vector<16xf32> to vector<16xf32>
    %get3A_81 = arith.constant 80 : index
    %get3A_82 = tpu.vector_load %arg10[%get3A_81] {strides = array<i32>} : memref<512xf32, #tpu.memory_space<vmem>>, vector<16xf32>,
    %get3A_83 = vector.shape_cast %get3A_82 : vector<16xf32> to vector<16xf32>
    %add3A_84 = arith.addf %get3A_80, %get3A_83 : vector<16xf32>
    %add3A_85 = arith.addf %add3A_84, %get3A_7 : vector<16xf32>
    %swap3A_86 = arith.constant 80 : index
    %swap3A_87 = tpu.vector_load %arg9[%swap3A_86] {strides = array<i32>} : memref<512xf32, #tpu.memory_space<vmem>>, vector<16xf32>,
    %swap3A_88 = vector.shape_cast %swap3A_87 : vector<16xf32> to vector<16xf32>
    %swap3A_89 = vector.shape_cast %add3A_85 : vector<16xf32> to vector<16xf32>
    tpu.vector_store %arg9[%swap3A_86], %swap3A_89 {strides = array<i32>} : memref<512xf32, #tpu.memory_space<vmem>>, vector<16xf32>,
    %get3A_90 = arith.constant 96 : index
    %get3A_91 = tpu.vector_load %arg9[%get3A_90] {strides = array<i32>} : memref<512xf32, #tpu.memory_space<vmem>>, vector<16xf32>,
    %get3A_92 = vector.shape_cast %get3A_91 : vector<16xf32> to vector<16xf32>
    %get3A_93 = arith.constant 96 : index
    %get3A_94 = tpu.vector_load %arg10[%get3A_93] {strides = array<i32>} : memref<512xf32, #tpu.memory_space<vmem>>, vector<16xf32>,
    %get3A_95 = vector.shape_cast %get3A_94 : vector<16xf32> to vector<16xf32>
    %add3A_96 = arith.addf %get3A_92, %get3A_95 : vector<16xf32>
    %add3A_97 = arith.addf %add3A_96, %get3A_7 : vector<16xf32>
    %swap3A_98 = arith.constant 96 : index
    %swap3A_99 = tpu.vector_load %arg9[%swap3A_98] {strides = array<i32>} : memref<512xf32, #tpu.memory_space<vmem>>, vector<16xf32>,
    %swap3A_100 = vector.shape_cast %swap3A_99 : vector<16xf32> to vector<16xf32>
    %swap3A_101 = vector.shape_cast %add3A_97 : vector<16xf32> to vector<16xf32>
    tpu.vector_store %arg9[%swap3A_98], %swap3A_101 {strides = array<i32>} : memref<512xf32, #tpu.memory_space<vmem>>, vector<16xf32>,
    %get3A_102 = arith.constant 112 : index
    %get3A_103 = tpu.vector_load %arg9[%get3A_102] {strides = array<i32>} : memref<512xf32, #tpu.memory_space<vmem>>, vector<16xf32>,
    %get3A_104 = vector.shape_cast %get3A_103 : vector<16xf32> to vector<16xf32>
    %get3A_105 = arith.constant 112 : index
    %get3A_106 = tpu.vector_load %arg10[%get3A_105] {strides = array<i32>} : memref<512xf32, #tpu.memory_space<vmem>>, vector<16xf32>,
    %get3A_107 = vector.shape_cast %get3A_106 : vector<16xf32> to vector<16xf32>
    %add3A_108 = arith.addf %get3A_104, %get3A_107 : vector<16xf32>
    %add3A_109 = arith.addf %add3A_108, %get3A_7 : vector<16xf32>
    %swap3A_110 = arith.constant 112 : index
    %swap3A_111 = tpu.vector_load %arg9[%swap3A_110] {strides = array<i32>} : memref<512xf32, #tpu.memory_space<vmem>>, vector<16xf32>,
    %swap3A_112 = vector.shape_cast %swap3A_111 : vector<16xf32> to vector<16xf32>
    %swap3A_113 = vector.shape_cast %add3A_109 : vector<16xf32> to vector<16xf32>
    tpu.vector_store %arg9[%swap3A_110], %swap3A_113 {strides = array<i32>} : memref<512xf32, #tpu.memory_space<vmem>>, vector<16xf32>,
    %get3A_114 = arith.constant 128 : index
    %get3A_115 = tpu.vector_load %arg9[%get3A_114] {strides = array<i32>} : memref<512xf32, #tpu.memory_space<vmem>>, vector<16xf32>,
    %get3A_116 = vector.shape_cast %get3A_115 : vector<16xf32> to vector<16xf32>
    %get3A_117 = arith.constant 128 : index
    %get3A_118 = tpu.vector_load %arg10[%get3A_117] {strides = array<i32>} : memref<512xf32, #tpu.memory_space<vmem>>, vector<16xf32>,
    %get3A_119 = vector.shape_cast %get3A_118 : vector<16xf32> to vector<16xf32>
    %add3A_120 = arith.addf %get3A_116, %get3A_119 : vector<16xf32>
    %add3A_121 = arith.addf %add3A_120, %get3A_7 : vector<16xf32>
    %swap3A_122 = arith.constant 128 : index
    %swap3A_123 = tpu.vector_load %arg9[%swap3A_122] {strides = array<i32>} : memref<512xf32, #tpu.memory_space<vmem>>, vector<16xf32>,
    %swap3A_124 = vector.shape_cast %swap3A_123 : vector<16xf32> to vector<16xf32>
    %swap3A_125 = vector.shape_cast %add3A_121 : vector<16xf32> to vector<16xf32>
    tpu.vector_store %arg9[%swap3A_122], %swap3A_125 {strides = array<i32>} : memref<512xf32, #tpu.memory_space<vmem>>, vector<16xf32>,
    %get3A_126 = arith.constant 144 : index
    %get3A_127 = tpu.vector_load %arg9[%get3A_126] {strides = array<i32>} : memref<512xf32, #tpu.memory_space<vmem>>, vector<16xf32>,
    %get3A_128 = vector.shape_cast %get3A_127 : vector<16xf32> to vector<16xf32>
    %get3A_129 = arith.constant 144 : index
    %get3A_130 = tpu.vector_load %arg10[%get3A_129] {strides = array<i32>} : memref<512xf32, #tpu.memory_space<vmem>>, vector<16xf32>,
    %get3A_131 = vector.shape_cast %get3A_130 : vector<16xf32> to vector<16xf32>
    %add3A_132 = arith.addf %get3A_128, %get3A_131 : vector<16xf32>
    %add3A_133 = arith.addf %add3A_132, %get3A_7 : vector<16xf32>
    %swap3A_134 = arith.constant 144 : index
    %swap3A_135 = tpu.vector_load %arg9[%swap3A_134] {strides = array<i32>} : memref<512xf32, #tpu.memory_space<vmem>>, vector<16xf32>,
    %swap3A_136 = vector.shape_cast %swap3A_135 : vector<16xf32> to vector<16xf32>
    %swap3A_137 = vector.shape_cast %add3A_133 : vector<16xf32> to vector<16xf32>
    tpu.vector_store %arg9[%swap3A_134], %swap3A_137 {strides = array<i32>} : memref<512xf32, #tpu.memory_space<vmem>>, vector<16xf32>,
    %get3A_138 = arith.constant 160 : index
    %get3A_139 = tpu.vector_load %arg9[%get3A_138] {strides = array<i32>} : memref<512xf32, #tpu.memory_space<vmem>>, vector<16xf32>,
    %get3A_140 = vector.shape_cast %get3A_139 : vector<16xf32> to vector<16xf32>
    %get3A_141 = arith.constant 160 : index
    %get3A_142 = tpu.vector_load %arg10[%get3A_141] {strides = array<i32>} : memref<512xf32, #tpu.memory_space<vmem>>, vector<16xf32>,
    %get3A_143 = vector.shape_cast %get3A_142 : vector<16xf32> to vector<16xf32>
    %add3A_144 = arith.addf %get3A_140, %get3A_143 : vector<16xf32>
    %add3A_145 = arith.addf %add3A_144, %get3A_7 : vector<16xf32>
    %swap3A_146 = arith.constant 160 : index
    %swap3A_147 = tpu.vector_load %arg9[%swap3A_146] {strides = array<i32>} : memref<512xf32, #tpu.memory_space<vmem>>, vector<16xf32>,
    %swap3A_148 = vector.shape_cast %swap3A_147 : vector<16xf32> to vector<16xf32>
    %swap3A_149 = vector.shape_cast %add3A_145 : vector<16xf32> to vector<16xf32>
    tpu.vector_store %arg9[%swap3A_146], %swap3A_149 {strides = array<i32>} : memref<512xf32, #tpu.memory_space<vmem>>, vector<16xf32>,
    %get3A_150 = arith.constant 176 : index
    %get3A_151 = tpu.vector_load %arg9[%get3A_150] {strides = array<i32>} : memref<512xf32, #tpu.memory_space<vmem>>, vector<16xf32>,
    %get3A_152 = vector.shape_cast %get3A_151 : vector<16xf32> to vector<16xf32>
    %get3A_153 = arith.constant 176 : index
    %get3A_154 = tpu.vector_load %arg10[%get3A_153] {strides = array<i32>} : memref<512xf32, #tpu.memory_space<vmem>>, vector<16xf32>,
    %get3A_155 = vector.shape_cast %get3A_154 : vector<16xf32> to vector<16xf32>
    %add3A_156 = arith.addf %get3A_152, %get3A_155 : vector<16xf32>
    %add3A_157 = arith.addf %add3A_156, %get3A_7 : vector<16xf32>
    %swap3A_158 = arith.constant 176 : index
    %swap3A_159 = tpu.vector_load %arg9[%swap3A_158] {strides = array<i32>} : memref<512xf32, #tpu.memory_space<vmem>>, vector<16xf32>,
    %swap3A_160 = vector.shape_cast %swap3A_159 : vector<16xf32> to vector<16xf32>
    %swap3A_161 = vector.shape_cast %add3A_157 : vector<16xf32> to vector<16xf32>
    tpu.vector_store %arg9[%swap3A_158], %swap3A_161 {strides = array<i32>} : memref<512xf32, #tpu.memory_space<vmem>>, vector<16xf32>,
    %get3A_162 = arith.constant 192 : index
    %get3A_163 = tpu.vector_load %arg9[%get3A_162] {strides = array<i32>} : memref<512xf32, #tpu.memory_space<vmem>>, vector<16xf32>,
    %get3A_164 = vector.shape_cast %get3A_163 : vector<16xf32> to vector<16xf32>
    %get3A_165 = arith.constant 192 : index
    %get3A_166 = tpu.vector_load %arg10[%get3A_165] {strides = array<i32>} : memref<512xf32, #tpu.memory_space<vmem>>, vector<16xf32>,
    %get3A_167 = vector.shape_cast %get3A_166 : vector<16xf32> to vector<16xf32>
    %add3A_168 = arith.addf %get3A_164, %get3A_167 : vector<16xf32>
    %add3A_169 = arith.addf %add3A_168, %get3A_7 : vector<16xf32>
    %swap3A_170 = arith.constant 192 : index
    %swap3A_171 = tpu.vector_load %arg9[%swap3A_170] {strides = array<i32>} : memref<512xf32, #tpu.memory_space<vmem>>, vector<16xf32>,
    %swap3A_172 = vector.shape_cast %swap3A_171 : vector<16xf32> to vector<16xf32>
    %swap3A_173 = vector.shape_cast %add3A_169 : vector<16xf32> to vector<16xf32>
    tpu.vector_store %arg9[%swap3A_170], %swap3A_173 {strides = array<i32>} : memref<512xf32, #tpu.memory_space<vmem>>, vector<16xf32>,
    %get3A_174 = arith.constant 208 : index
    %get3A_175 = tpu.vector_load %arg9[%get3A_174] {strides = array<i32>} : memref<512xf32, #tpu.memory_space<vmem>>, vector<16xf32>,
    %get3A_176 = vector.shape_cast %get3A_175 : vector<16xf32> to vector<16xf32>
    %get3A_177 = arith.constant 208 : index
    %get3A_178 = tpu.vector_load %arg10[%get3A_177] {strides = array<i32>} : memref<512xf32, #tpu.memory_space<vmem>>, vector<16xf32>,
    %get3A_179 = vector.shape_cast %get3A_178 : vector<16xf32> to vector<16xf32>
    %add3A_180 = arith.addf %get3A_176, %get3A_179 : vector<16xf32>
    %add3A_181 = arith.addf %add3A_180, %get3A_7 : vector<16xf32>
    %swap3A_182 = arith.constant 208 : index
    %swap3A_183 = tpu.vector_load %arg9[%swap3A_182] {strides = array<i32>} : memref<512xf32, #tpu.memory_space<vmem>>, vector<16xf32>,
    %swap3A_184 = vector.shape_cast %swap3A_183 : vector<16xf32> to vector<16xf32>
    %swap3A_185 = vector.shape_cast %add3A_181 : vector<16xf32> to vector<16xf32>
    tpu.vector_store %arg9[%swap3A_182], %swap3A_185 {strides = array<i32>} : memref<512xf32, #tpu.memory_space<vmem>>, vector<16xf32>,
    %get3A_186 = arith.constant 224 : index
    %get3A_187 = tpu.vector_load %arg9[%get3A_186] {strides = array<i32>} : memref<512xf32, #tpu.memory_space<vmem>>, vector<16xf32>,
    %get3A_188 = vector.shape_cast %get3A_187 : vector<16xf32> to vector<16xf32>
    %get3A_189 = arith.constant 224 : index
    %get3A_190 = tpu.vector_load %arg10[%get3A_189] {strides = array<i32>} : memref<512xf32, #tpu.memory_space<vmem>>, vector<16xf32>,
    %get3A_191 = vector.shape_cast %get3A_190 : vector<16xf32> to vector<16xf32>
    %add3A_192 = arith.addf %get3A_188, %get3A_191 : vector<16xf32>
    %add3A_193 = arith.addf %add3A_192, %get3A_7 : vector<16xf32>
    %swap3A_194 = arith.constant 224 : index
    %swap3A_195 = tpu.vector_load %arg9[%swap3A_194] {strides = array<i32>} : memref<512xf32, #tpu.memory_space<vmem>>, vector<16xf32>,
    %swap3A_196 = vector.shape_cast %swap3A_195 : vector<16xf32> to vector<16xf32>
    %swap3A_197 = vector.shape_cast %add3A_193 : vector<16xf32> to vector<16xf32>
    tpu.vector_store %arg9[%swap3A_194], %swap3A_197 {strides = array<i32>} : memref<512xf32, #tpu.memory_space<vmem>>, vector<16xf32>,
    %get3A_198 = arith.constant 240 : index
    %get3A_199 = tpu.vector_load %arg9[%get3A_198] {strides = array<i32>} : memref<512xf32, #tpu.memory_space<vmem>>, vector<16xf32>,
    %get3A_200 = vector.shape_cast %get3A_199 : vector<16xf32> to vector<16xf32>
    %get3A_201 = arith.constant 240 : index
    %get3A_202 = tpu.vector_load %arg10[%get3A_201] {strides = array<i32>} : memref<512xf32, #tpu.memory_space<vmem>>, vector<16xf32>,
    %get3A_203 = vector.shape_cast %get3A_202 : vector<16xf32> to vector<16xf32>
    %add3A_204 = arith.addf %get3A_200, %get3A_203 : vector<16xf32>
    %add3A_205 = arith.addf %add3A_204, %get3A_7 : vector<16xf32>
    %swap3A_206 = arith.constant 240 : index
    %swap3A_207 = tpu.vector_load %arg9[%swap3A_206] {strides = array<i32>} : memref<512xf32, #tpu.memory_space<vmem>>, vector<16xf32>,
    %swap3A_208 = vector.shape_cast %swap3A_207 : vector<16xf32> to vector<16xf32>
    %swap3A_209 = vector.shape_cast %add3A_205 : vector<16xf32> to vector<16xf32>
    tpu.vector_store %arg9[%swap3A_206], %swap3A_209 {strides = array<i32>} : memref<512xf32, #tpu.memory_space<vmem>>, vector<16xf32>,
    %get3A_210 = arith.constant 256 : index
    %get3A_211 = tpu.vector_load %arg9[%get3A_210] {strides = array<i32>} : memref<512xf32, #tpu.memory_space<vmem>>, vector<16xf32>,
    %get3A_212 = vector.shape_cast %get3A_211 : vector<16xf32> to vector<16xf32>
    %get3A_213 = arith.constant 256 : index
    %get3A_214 = tpu.vector_load %arg10[%get3A_213] {strides = array<i32>} : memref<512xf32, #tpu.memory_space<vmem>>, vector<16xf32>,
    %get3A_215 = vector.shape_cast %get3A_214 : vector<16xf32> to vector<16xf32>
    %add3A_216 = arith.addf %get3A_212, %get3A_215 : vector<16xf32>
    %add3A_217 = arith.addf %add3A_216, %get3A_7 : vector<16xf32>
    %swap3A_218 = arith.constant 256 : index
    %swap3A_219 = tpu.vector_load %arg9[%swap3A_218] {strides = array<i32>} : memref<512xf32, #tpu.memory_space<vmem>>, vector<16xf32>,
    %swap3A_220 = vector.shape_cast %swap3A_219 : vector<16xf32> to vector<16xf32>
    %swap3A_221 = vector.shape_cast %add3A_217 : vector<16xf32> to vector<16xf32>
    tpu.vector_store %arg9[%swap3A_218], %swap3A_221 {strides = array<i32>} : memref<512xf32, #tpu.memory_space<vmem>>, vector<16xf32>,
    %get3A_222 = arith.constant 272 : index
    %get3A_223 = tpu.vector_load %arg9[%get3A_222] {strides = array<i32>} : memref<512xf32, #tpu.memory_space<vmem>>, vector<16xf32>,
    %get3A_224 = vector.shape_cast %get3A_223 : vector<16xf32> to vector<16xf32>
    %get3A_225 = arith.constant 272 : index
    %get3A_226 = tpu.vector_load %arg10[%get3A_225] {strides = array<i32>} : memref<512xf32, #tpu.memory_space<vmem>>, vector<16xf32>,
    %get3A_227 = vector.shape_cast %get3A_226 : vector<16xf32> to vector<16xf32>
    %add3A_228 = arith.addf %get3A_224, %get3A_227 : vector<16xf32>
    %add3A_229 = arith.addf %add3A_228, %get3A_7 : vector<16xf32>
    %swap3A_230 = arith.constant 272 : index
    %swap3A_231 = tpu.vector_load %arg9[%swap3A_230] {strides = array<i32>} : memref<512xf32, #tpu.memory_space<vmem>>, vector<16xf32>,
    %swap3A_232 = vector.shape_cast %swap3A_231 : vector<16xf32> to vector<16xf32>
    %swap3A_233 = vector.shape_cast %add3A_229 : vector<16xf32> to vector<16xf32>
    tpu.vector_store %arg9[%swap3A_230], %swap3A_233 {strides = array<i32>} : memref<512xf32, #tpu.memory_space<vmem>>, vector<16xf32>,
    %get3A_234 = arith.constant 288 : index
    %get3A_235 = tpu.vector_load %arg9[%get3A_234] {strides = array<i32>} : memref<512xf32, #tpu.memory_space<vmem>>, vector<16xf32>,
    %get3A_236 = vector.shape_cast %get3A_235 : vector<16xf32> to vector<16xf32>
    %get3A_237 = arith.constant 288 : index
    %get3A_238 = tpu.vector_load %arg10[%get3A_237] {strides = array<i32>} : memref<512xf32, #tpu.memory_space<vmem>>, vector<16xf32>,
    %get3A_239 = vector.shape_cast %get3A_238 : vector<16xf32> to vector<16xf32>
    %add3A_240 = arith.addf %get3A_236, %get3A_239 : vector<16xf32>
    %add3A_241 = arith.addf %add3A_240, %get3A_7 : vector<16xf32>
    %swap3A_242 = arith.constant 288 : index
    %swap3A_243 = tpu.vector_load %arg9[%swap3A_242] {strides = array<i32>} : memref<512xf32, #tpu.memory_space<vmem>>, vector<16xf32>,
    %swap3A_244 = vector.shape_cast %swap3A_243 : vector<16xf32> to vector<16xf32>
    %swap3A_245 = vector.shape_cast %add3A_241 : vector<16xf32> to vector<16xf32>
    tpu.vector_store %arg9[%swap3A_242], %swap3A_245 {strides = array<i32>} : memref<512xf32, #tpu.memory_space<vmem>>, vector<16xf32>,
    %get3A_246 = arith.constant 304 : index
    %get3A_247 = tpu.vector_load %arg9[%get3A_246] {strides = array<i32>} : memref<512xf32, #tpu.memory_space<vmem>>, vector<16xf32>,
    %get3A_248 = vector.shape_cast %get3A_247 : vector<16xf32> to vector<16xf32>
    %get3A_249 = arith.constant 304 : index
    %get3A_250 = tpu.vector_load %arg10[%get3A_249] {strides = array<i32>} : memref<512xf32, #tpu.memory_space<vmem>>, vector<16xf32>,
    %get3A_251 = vector.shape_cast %get3A_250 : vector<16xf32> to vector<16xf32>
    %add3A_252 = arith.addf %get3A_248, %get3A_251 : vector<16xf32>
    %add3A_253 = arith.addf %add3A_252, %get3A_7 : vector<16xf32>
    %swap3A_254 = arith.constant 304 : index
    %swap3A_255 = tpu.vector_load %arg9[%swap3A_254] {strides = array<i32>} : memref<512xf32, #tpu.memory_space<vmem>>, vector<16xf32>,
    %swap3A_256 = vector.shape_cast %swap3A_255 : vector<16xf32> to vector<16xf32>
    %swap3A_257 = vector.shape_cast %add3A_253 : vector<16xf32> to vector<16xf32>
    tpu.vector_store %arg9[%swap3A_254], %swap3A_257 {strides = array<i32>} : memref<512xf32, #tpu.memory_space<vmem>>, vector<16xf32>,
    %get3A_258 = arith.constant 320 : index
    %get3A_259 = tpu.vector_load %arg9[%get3A_258] {strides = array<i32>} : memref<512xf32, #tpu.memory_space<vmem>>, vector<16xf32>,
    %get3A_260 = vector.shape_cast %get3A_259 : vector<16xf32> to vector<16xf32>
    %get3A_261 = arith.constant 320 : index
    %get3A_262 = tpu.vector_load %arg10[%get3A_261] {strides = array<i32>} : memref<512xf32, #tpu.memory_space<vmem>>, vector<16xf32>,
    %get3A_263 = vector.shape_cast %get3A_262 : vector<16xf32> to vector<16xf32>
    %add3A_264 = arith.addf %get3A_260, %get3A_263 : vector<16xf32>
    %add3A_265 = arith.addf %add3A_264, %get3A_7 : vector<16xf32>
    %swap3A_266 = arith.constant 320 : index
    %swap3A_267 = tpu.vector_load %arg9[%swap3A_266] {strides = array<i32>} : memref<512xf32, #tpu.memory_space<vmem>>, vector<16xf32>,
    %swap3A_268 = vector.shape_cast %swap3A_267 : vector<16xf32> to vector<16xf32>
    %swap3A_269 = vector.shape_cast %add3A_265 : vector<16xf32> to vector<16xf32>
    tpu.vector_store %arg9[%swap3A_266], %swap3A_269 {strides = array<i32>} : memref<512xf32, #tpu.memory_space<vmem>>, vector<16xf32>,
    %get3A_270 = arith.constant 336 : index
    %get3A_271 = tpu.vector_load %arg9[%get3A_270] {strides = array<i32>} : memref<512xf32, #tpu.memory_space<vmem>>, vector<16xf32>,
    %get3A_272 = vector.shape_cast %get3A_271 : vector<16xf32> to vector<16xf32>
    %get3A_273 = arith.constant 336 : index
    %get3A_274 = tpu.vector_load %arg10[%get3A_273] {strides = array<i32>} : memref<512xf32, #tpu.memory_space<vmem>>, vector<16xf32>,
    %get3A_275 = vector.shape_cast %get3A_274 : vector<16xf32> to vector<16xf32>
    %add3A_276 = arith.addf %get3A_272, %get3A_275 : vector<16xf32>
    %add3A_277 = arith.addf %add3A_276, %get3A_7 : vector<16xf32>
    %swap3A_278 = arith.constant 336 : index
    %swap3A_279 = tpu.vector_load %arg9[%swap3A_278] {strides = array<i32>} : memref<512xf32, #tpu.memory_space<vmem>>, vector<16xf32>,
    %swap3A_280 = vector.shape_cast %swap3A_279 : vector<16xf32> to vector<16xf32>
    %swap3A_281 = vector.shape_cast %add3A_277 : vector<16xf32> to vector<16xf32>
    tpu.vector_store %arg9[%swap3A_278], %swap3A_281 {strides = array<i32>} : memref<512xf32, #tpu.memory_space<vmem>>, vector<16xf32>,
    %get3A_282 = arith.constant 352 : index
    %get3A_283 = tpu.vector_load %arg9[%get3A_282] {strides = array<i32>} : memref<512xf32, #tpu.memory_space<vmem>>, vector<16xf32>,
    %get3A_284 = vector.shape_cast %get3A_283 : vector<16xf32> to vector<16xf32>
    %get3A_285 = arith.constant 352 : index
    %get3A_286 = tpu.vector_load %arg10[%get3A_285] {strides = array<i32>} : memref<512xf32, #tpu.memory_space<vmem>>, vector<16xf32>,
    %get3A_287 = vector.shape_cast %get3A_286 : vector<16xf32> to vector<16xf32>
    %add3A_288 = arith.addf %get3A_284, %get3A_287 : vector<16xf32>
    %add3A_289 = arith.addf %add3A_288, %get3A_7 : vector<16xf32>
    %swap3A_290 = arith.constant 352 : index
    %swap3A_291 = tpu.vector_load %arg9[%swap3A_290] {strides = array<i32>} : memref<512xf32, #tpu.memory_space<vmem>>, vector<16xf32>,
    %swap3A_292 = vector.shape_cast %swap3A_291 : vector<16xf32> to vector<16xf32>
    %swap3A_293 = vector.shape_cast %add3A_289 : vector<16xf32> to vector<16xf32>
    tpu.vector_store %arg9[%swap3A_290], %swap3A_293 {strides = array<i32>} : memref<512xf32, #tpu.memory_space<vmem>>, vector<16xf32>,
    %get3A_294 = arith.constant 368 : index
    %get3A_295 = tpu.vector_load %arg9[%get3A_294] {strides = array<i32>} : memref<512xf32, #tpu.memory_space<vmem>>, vector<16xf32>,
    %get3A_296 = vector.shape_cast %get3A_295 : vector<16xf32> to vector<16xf32>
    %get3A_297 = arith.constant 368 : index
    %get3A_298 = tpu.vector_load %arg10[%get3A_297] {strides = array<i32>} : memref<512xf32, #tpu.memory_space<vmem>>, vector<16xf32>,
    %get3A_299 = vector.shape_cast %get3A_298 : vector<16xf32> to vector<16xf32>
    %add3A_300 = arith.addf %get3A_296, %get3A_299 : vector<16xf32>
    %add3A_301 = arith.addf %add3A_300, %get3A_7 : vector<16xf32>
    %swap3A_302 = arith.constant 368 : index
    %swap3A_303 = tpu.vector_load %arg9[%swap3A_302] {strides = array<i32>} : memref<512xf32, #tpu.memory_space<vmem>>, vector<16xf32>,
    %swap3A_304 = vector.shape_cast %swap3A_303 : vector<16xf32> to vector<16xf32>
    %swap3A_305 = vector.shape_cast %add3A_301 : vector<16xf32> to vector<16xf32>
    tpu.vector_store %arg9[%swap3A_302], %swap3A_305 {strides = array<i32>} : memref<512xf32, #tpu.memory_space<vmem>>, vector<16xf32>,
    %get3A_306 = arith.constant 384 : index
    %get3A_307 = tpu.vector_load %arg9[%get3A_306] {strides = array<i32>} : memref<512xf32, #tpu.memory_space<vmem>>, vector<16xf32>,
    %get3A_308 = vector.shape_cast %get3A_307 : vector<16xf32> to vector<16xf32>
    %get3A_309 = arith.constant 384 : index
    %get3A_310 = tpu.vector_load %arg10[%get3A_309] {strides = array<i32>} : memref<512xf32, #tpu.memory_space<vmem>>, vector<16xf32>,
    %get3A_311 = vector.shape_cast %get3A_310 : vector<16xf32> to vector<16xf32>
    %add3A_312 = arith.addf %get3A_308, %get3A_311 : vector<16xf32>
    %add3A_313 = arith.addf %add3A_312, %get3A_7 : vector<16xf32>
    %swap3A_314 = arith.constant 384 : index
    %swap3A_315 = tpu.vector_load %arg9[%swap3A_314] {strides = array<i32>} : memref<512xf32, #tpu.memory_space<vmem>>, vector<16xf32>,
    %swap3A_316 = vector.shape_cast %swap3A_315 : vector<16xf32> to vector<16xf32>
    %swap3A_317 = vector.shape_cast %add3A_313 : vector<16xf32> to vector<16xf32>
    tpu.vector_store %arg9[%swap3A_314], %swap3A_317 {strides = array<i32>} : memref<512xf32, #tpu.memory_space<vmem>>, vector<16xf32>,
    %get3A_318 = arith.constant 400 : index
    %get3A_319 = tpu.vector_load %arg9[%get3A_318] {strides = array<i32>} : memref<512xf32, #tpu.memory_space<vmem>>, vector<16xf32>,
    %get3A_320 = vector.shape_cast %get3A_319 : vector<16xf32> to vector<16xf32>
    %get3A_321 = arith.constant 400 : index
    %get3A_322 = tpu.vector_load %arg10[%get3A_321] {strides = array<i32>} : memref<512xf32, #tpu.memory_space<vmem>>, vector<16xf32>,
    %get3A_323 = vector.shape_cast %get3A_322 : vector<16xf32> to vector<16xf32>
    %add3A_324 = arith.addf %get3A_320, %get3A_323 : vector<16xf32>
    %add3A_325 = arith.addf %add3A_324, %get3A_7 : vector<16xf32>
    %swap3A_326 = arith.constant 400 : index
    %swap3A_327 = tpu.vector_load %arg9[%swap3A_326] {strides = array<i32>} : memref<512xf32, #tpu.memory_space<vmem>>, vector<16xf32>,
    %swap3A_328 = vector.shape_cast %swap3A_327 : vector<16xf32> to vector<16xf32>
    %swap3A_329 = vector.shape_cast %add3A_325 : vector<16xf32> to vector<16xf32>
    tpu.vector_store %arg9[%swap3A_326], %swap3A_329 {strides = array<i32>} : memref<512xf32, #tpu.memory_space<vmem>>, vector<16xf32>,
    %get3A_330 = arith.constant 416 : index
    %get3A_331 = tpu.vector_load %arg9[%get3A_330] {strides = array<i32>} : memref<512xf32, #tpu.memory_space<vmem>>, vector<16xf32>,
    %get3A_332 = vector.shape_cast %get3A_331 : vector<16xf32> to vector<16xf32>
    %get3A_333 = arith.constant 416 : index
    %get3A_334 = tpu.vector_load %arg10[%get3A_333] {strides = array<i32>} : memref<512xf32, #tpu.memory_space<vmem>>, vector<16xf32>,
    %get3A_335 = vector.shape_cast %get3A_334 : vector<16xf32> to vector<16xf32>
    %add3A_336 = arith.addf %get3A_332, %get3A_335 : vector<16xf32>
    %add3A_337 = arith.addf %add3A_336, %get3A_7 : vector<16xf32>
    %swap3A_338 = arith.constant 416 : index
    %swap3A_339 = tpu.vector_load %arg9[%swap3A_338] {strides = array<i32>} : memref<512xf32, #tpu.memory_space<vmem>>, vector<16xf32>,
    %swap3A_340 = vector.shape_cast %swap3A_339 : vector<16xf32> to vector<16xf32>
    %swap3A_341 = vector.shape_cast %add3A_337 : vector<16xf32> to vector<16xf32>
    tpu.vector_store %arg9[%swap3A_338], %swap3A_341 {strides = array<i32>} : memref<512xf32, #tpu.memory_space<vmem>>, vector<16xf32>,
    %get3A_342 = arith.constant 432 : index
    %get3A_343 = tpu.vector_load %arg9[%get3A_342] {strides = array<i32>} : memref<512xf32, #tpu.memory_space<vmem>>, vector<16xf32>,
    %get3A_344 = vector.shape_cast %get3A_343 : vector<16xf32> to vector<16xf32>
    %get3A_345 = arith.constant 432 : index
    %get3A_346 = tpu.vector_load %arg10[%get3A_345] {strides = array<i32>} : memref<512xf32, #tpu.memory_space<vmem>>, vector<16xf32>,
    %get3A_347 = vector.shape_cast %get3A_346 : vector<16xf32> to vector<16xf32>
    %add3A_348 = arith.addf %get3A_344, %get3A_347 : vector<16xf32>
    %add3A_349 = arith.addf %add3A_348, %get3A_7 : vector<16xf32>
    %swap3A_350 = arith.constant 432 : index
    %swap3A_351 = tpu.vector_load %arg9[%swap3A_350] {strides = array<i32>} : memref<512xf32, #tpu.memory_space<vmem>>, vector<16xf32>,
    %swap3A_352 = vector.shape_cast %swap3A_351 : vector<16xf32> to vector<16xf32>
    %swap3A_353 = vector.shape_cast %add3A_349 : vector<16xf32> to vector<16xf32>
    tpu.vector_store %arg9[%swap3A_350], %swap3A_353 {strides = array<i32>} : memref<512xf32, #tpu.memory_space<vmem>>, vector<16xf32>,
    %get3A_354 = arith.constant 448 : index
    %get3A_355 = tpu.vector_load %arg9[%get3A_354] {strides = array<i32>} : memref<512xf32, #tpu.memory_space<vmem>>, vector<16xf32>,
    %get3A_356 = vector.shape_cast %get3A_355 : vector<16xf32> to vector<16xf32>
    %get3A_357 = arith.constant 448 : index
    %get3A_358 = tpu.vector_load %arg10[%get3A_357] {strides = array<i32>} : memref<512xf32, #tpu.memory_space<vmem>>, vector<16xf32>,
    %get3A_359 = vector.shape_cast %get3A_358 : vector<16xf32> to vector<16xf32>
    %add3A_360 = arith.addf %get3A_356, %get3A_359 : vector<16xf32>
    %add3A_361 = arith.addf %add3A_360, %get3A_7 : vector<16xf32>
    %swap3A_362 = arith.constant 448 : index
    %swap3A_363 = tpu.vector_load %arg9[%swap3A_362] {strides = array<i32>} : memref<512xf32, #tpu.memory_space<vmem>>, vector<16xf32>,
    %swap3A_364 = vector.shape_cast %swap3A_363 : vector<16xf32> to vector<16xf32>
    %swap3A_365 = vector.shape_cast %add3A_361 : vector<16xf32> to vector<16xf32>
    tpu.vector_store %arg9[%swap3A_362], %swap3A_365 {strides = array<i32>} : memref<512xf32, #tpu.memory_space<vmem>>, vector<16xf32>,
    %get3A_366 = arith.constant 464 : index
    %get3A_367 = tpu.vector_load %arg9[%get3A_366] {strides = array<i32>} : memref<512xf32, #tpu.memory_space<vmem>>, vector<16xf32>,
    %get3A_368 = vector.shape_cast %get3A_367 : vector<16xf32> to vector<16xf32>
    %get3A_369 = arith.constant 464 : index
    %get3A_370 = tpu.vector_load %arg10[%get3A_369] {strides = array<i32>} : memref<512xf32, #tpu.memory_space<vmem>>, vector<16xf32>,
    %get3A_371 = vector.shape_cast %get3A_370 : vector<16xf32> to vector<16xf32>
    %add3A_372 = arith.addf %get3A_368, %get3A_371 : vector<16xf32>
    %add3A_373 = arith.addf %add3A_372, %get3A_7 : vector<16xf32>
    %swap3A_374 = arith.constant 464 : index
    %swap3A_375 = tpu.vector_load %arg9[%swap3A_374] {strides = array<i32>} : memref<512xf32, #tpu.memory_space<vmem>>, vector<16xf32>,
    %swap3A_376 = vector.shape_cast %swap3A_375 : vector<16xf32> to vector<16xf32>
    %swap3A_377 = vector.shape_cast %add3A_373 : vector<16xf32> to vector<16xf32>
    tpu.vector_store %arg9[%swap3A_374], %swap3A_377 {strides = array<i32>} : memref<512xf32, #tpu.memory_space<vmem>>, vector<16xf32>,
    %get3A_378 = arith.constant 480 : index
    %get3A_379 = tpu.vector_load %arg9[%get3A_378] {strides = array<i32>} : memref<512xf32, #tpu.memory_space<vmem>>, vector<16xf32>,
    %get3A_380 = vector.shape_cast %get3A_379 : vector<16xf32> to vector<16xf32>
    %get3A_381 = arith.constant 480 : index
    %get3A_382 = tpu.vector_load %arg10[%get3A_381] {strides = array<i32>} : memref<512xf32, #tpu.memory_space<vmem>>, vector<16xf32>,
    %get3A_383 = vector.shape_cast %get3A_382 : vector<16xf32> to vector<16xf32>
    %add3A_384 = arith.addf %get3A_380, %get3A_383 : vector<16xf32>
    %add3A_385 = arith.addf %add3A_384, %get3A_7 : vector<16xf32>
    %swap3A_386 = arith.constant 480 : index
    %swap3A_387 = tpu.vector_load %arg9[%swap3A_386] {strides = array<i32>} : memref<512xf32, #tpu.memory_space<vmem>>, vector<16xf32>,
    %swap3A_388 = vector.shape_cast %swap3A_387 : vector<16xf32> to vector<16xf32>
    %swap3A_389 = vector.shape_cast %add3A_385 : vector<16xf32> to vector<16xf32>
    tpu.vector_store %arg9[%swap3A_386], %swap3A_389 {strides = array<i32>} : memref<512xf32, #tpu.memory_space<vmem>>, vector<16xf32>,
    %get3A_390 = arith.constant 496 : index
    %get3A_391 = tpu.vector_load %arg9[%get3A_390] {strides = array<i32>} : memref<512xf32, #tpu.memory_space<vmem>>, vector<16xf32>,
    %get3A_392 = vector.shape_cast %get3A_391 : vector<16xf32> to vector<16xf32>
    %get3A_393 = arith.constant 496 : index
    %get3A_394 = tpu.vector_load %arg10[%get3A_393] {strides = array<i32>} : memref<512xf32, #tpu.memory_space<vmem>>, vector<16xf32>,
    %get3A_395 = vector.shape_cast %get3A_394 : vector<16xf32> to vector<16xf32>
    %add3A_396 = arith.addf %get3A_392, %get3A_395 : vector<16xf32>
    %add3A_397 = arith.addf %add3A_396, %get3A_7 : vector<16xf32>
    %swap3A_398 = arith.constant 496 : index
    %swap3A_399 = tpu.vector_load %arg9[%swap3A_398] {strides = array<i32>} : memref<512xf32, #tpu.memory_space<vmem>>, vector<16xf32>,
    %swap3A_400 = vector.shape_cast %swap3A_399 : vector<16xf32> to vector<16xf32>
    %swap3A_401 = vector.shape_cast %add3A_397 : vector<16xf32> to vector<16xf32>
    tpu.vector_store %arg9[%swap3A_398], %swap3A_401 {strides = array<i32>} : memref<512xf32, #tpu.memory_space<vmem>>, vector<16xf32>,
    "tpu.region"() ({
      %run_scoped3A = tpu.sem_alloc : memref<!tpu.dma_semaphore, #tpu.memory_space<semaphore_mem>>
      %dma_start3A_402 = tpu.memref_slice %arg6[%mul3A_2] : memref<16384xf32, #tpu.memory_space<hbm>> -> memref<512xf32, #tpu.memory_space<hbm>>
      %dma_start3A_403 = tpu.memref_slice %arg6[%mul3A_2] : memref<16384xf32, #tpu.memory_space<hbm>> -> memref<512xf32, #tpu.memory_space<hbm>>
      tpu.enqueue_dma source(%arg9 : memref<512xf32, #tpu.memory_space<vmem>>) target(%dma_start3A_403 : memref<512xf32, #tpu.memory_space<hbm>>) target_semaphore(%run_scoped3A : memref<!tpu.dma_semaphore, #tpu.memory_space<semaphore_mem>>)
      %dma_wait3A_404 = tpu.memref_slice %arg6[%mul3A_2] : memref<16384xf32, #tpu.memory_space<hbm>> -> memref<512xf32, #tpu.memory_space<hbm>>
      %dma_wait3A_405 = tpu.memref_slice %arg6[%mul3A_2] : memref<16384xf32, #tpu.memory_space<hbm>> -> memref<512xf32, #tpu.memory_space<hbm>>
      tpu.wait_dma2 semaphore(%run_scoped3A : memref<!tpu.dma_semaphore, #tpu.memory_space<semaphore_mem>>) src(%arg9 : memref<512xf32, #tpu.memory_space<vmem>>) dst(%dma_wait3A_405 : memref<512xf32, #tpu.memory_space<hbm>>)
      tpu.yield
    }) : () -> ()
    return
  }
}

</mosaic_0001>

<sc_bundles>
// kernel: _bias.3.cloned.1.call-start
scs
__scs_entry_jumppad:
0x0: {  	(pc) =	sbr.rel $0x88, $3  }
0x1: {  	(tag) =	ssettag $0x0;
	lr =	simm.s32 $0x1  }
0x2: {  	[smem:$0x3F9C] =	sst lr;
	_ =	strace $0xD0000000  }
0x3: {  	_ = 	snop  }
0x4: {  	_ = 	snop  }
0x5: {  	_ = 	snop  }
0x6: {  	_ = 	snop  }
0x7: {  	_ = 	snop  }
__scs_overlays_trampoline_lowered:
0x8: {  	[smem:$0x3FAB] =	sst s0  }
0x9: {  	[smem:$0x3FAC] =	sst s1  }
0xa: {  	[smem:$0x3FAD] =	sst s2  }
0xb: {  	[smem:$0x3FAE] =	sst s3  }
0xc: {  	[smem:$0x3FAF] =	sst s4  }
0xd: {  	[smem:$0x3FB0] =	sst s5  }
0xe: {  	[smem:$0x3FB1] =	sst s6  }
0xf: {  	[smem:$0x3FB2] =	sst s7  }
0x10: {  	[smem:$0x3FB3] =	sst s8  }
0x11: {  	[smem:$0x3FB4] =	sst s9;
	s0 =	simm.s32 @!p0 $0x0  }
0x12: {  	s1 =	sld [smem:$0x3F9A];
	s0 =	simm.s32 @p0 $0x1  }
0x13: {  	[smem:$0x3FB5] =	sst s0;
	s0 =	simm.s32 @!p1 $0x0  }
0x14: {  	s2 =	sld [smem:$0x3F99];
	s0 =	simm.s32 @p1 $0x1  }
0x15: {  	[smem:$0x3FB6] =	sst s0;
	s0 =	simm.s32 @!p2 $0x0  }
0x16: {  	s3 =	sld [smem:$0x3FDB];
	s0 =	simm.s32 @p2 $0x1  }
0x17: {  	s4 =	simm.s32 $0x1BF5;
	[smem:$0x3FB8] =	sst s0  }
0x18: {  	s0 =	sld [smem:$0x3F9B];
	_ =	swait.ge [sflag:s4], $0x0  }
0x19: {  	s7 =	sld [smem:$0x3F9C]  }
0x1a: {  	s8 =	sadd.s32 $0xFFFFE003, lr  }
0x1b: {  	s9 =	sadd.s32 $0xFFFFFEF7, lr;
	s5 =	simm.s32 $0xFFFFFFFF;
	p2 =	slt.u32 s8, $0xFFFFF086  }
0x1c: {  	p1 =	slt.u32 s9, $0xF7A;
	s5 =	simm.s32 @!p2 $0x0  }
0x1d: {  	s5 =	simm.s32 @p1 $0x1;
	p0 =	seq.s32 s7, s2  }
0x1e: {  	s7 =	smul.u32 @!p0 $0xF7A, s2;
	p2 =	seq.s32 @!p0 s5, $0x0  }
0x1f: {  	s9 =	smul.u32 $0xF7A, s1;
	s8 =	simm.s32 @!p0 $0x1BF5;
	p2 =	por !p2, p0  }
0x20: {  	[sflag:s8] =	ssyncset.s32 @!p0 $0xFFFFF086;
	s6 =	sadd.s32 @!p0 s3, s7;
	s7 =	simm.s32 @!p0 $0x108  }
0x21: {  	s3 =	sadd.s32 s3, s9;
	s6 =	sadd.s32 @!p0 $0x88, s6;
	s7 =	simm.s32 @p2 $0x1082  }
0x22: {  	[simem:s7], [sflag:s8] =	dma.local @!p0 [hbm:s6], $0xF7A  }
0x23: {  	s9 =	sor.u32 $0xD0000000, s2;
	s6 =	simm.s32 $0x108;
	_ =	swait.ge @!p0 [sflag:s8], $0x0  }
0x24: {  	s3 =	sadd.s32 $0x88, s3;
	s6 =	simm.s32 @!p1 $0x1082;
	[sflag:s4] =	ssyncset.s32 $0xFFFFF086  }
0x25: {  	[simem:s6], [sflag:s4] =	dma.local [hbm:s3], $0xF7A  }
0x26: {  	[smem:$0x3F9C] =	sst s1;
	(tag) =	ssettag s2;
	_ =	strace s9  }
0x27: {  	s1 =	sld [smem:$0x3FAC]  }
0x28: {  	s2 =	sld [smem:$0x3FAD]  }
0x29: {  	s4 =	sld [smem:$0x3FAF]  }
0x2a: {  	p0 =	seq.s32 s5, $0x0;
	s5 =	sld [smem:$0x3FB0]  }
0x2b: {  	s6 =	sld [smem:$0x3FB1]  }
0x2c: {  	s7 =	sld [smem:$0x3FB2]  }
0x2d: {  	s3 =	simm.s32 $0x108;
	s8 =	sld [smem:$0x3FB3]  }
0x2e: {  	s3 =	simm.s32 @!p0 $0x1082;
	s9 =	sld [smem:$0x3FB4]  }
0x2f: {  	lr =	sadd.s32 s0, s3;
	s0 =	sld [smem:$0x3FAB]  }
0x30: {  	s3 =	sld [smem:$0x3FAE]  }
0x31: {  	[smem:$0x3FB7] =	sst s10  }
0x32: {  	s10 =	sld [smem:$0x3FB5];
	_ =	sdelay $0x3  }
0x33: {  	p0 =	seq.s32 s10, $0x1;
	s10 =	sld [smem:$0x3FB7];
	_ =	sdelay $0x3  }
0x34: {  	[smem:$0x3FB7] =	sst s10  }
0x35: {  	s10 =	sld [smem:$0x3FB6];
	_ =	sdelay $0x3  }
0x36: {  	p1 =	seq.s32 s10, $0x1;
	s10 =	sld [smem:$0x3FB7];
	_ =	sdelay $0x3  }
0x37: {  	[smem:$0x3FB7] =	sst s10  }
0x38: {  	s10 =	sld [smem:$0x3FB8]  }
0x39: {  	_ = 	snop;
	(pc) =	sbr.ind lr, $3  }
0x3a: {  	_ = 	snop  }
0x3b: {  	_ = 	snop  }
0x3c: {  	p2 =	seq.s32 s10, $0x1;
	s10 =	sld [smem:$0x3FB7]  }
0x3d: {  	_ =	shalt  }
0x3e: {  	_ =	shalt  }
0x3f: {  	_ =	shalt  }
0x40: {  	_ =	shalt  }
0x41: {  	_ =	shalt  }
0x42: {  	_ =	shalt  }
0x43: {  	_ =	shalt  }
0x44: {  	_ =	shalt  }
0x45: {  	_ =	shalt  }
0x46: {  	_ =	shalt  }
0x47: {  	_ =	shalt  }
0x48: {  	_ =	shalt  }
0x49: {  	_ =	shalt  }
0x4a: {  	_ =	shalt  }
0x4b: {  	_ =	shalt  }
0x4c: {  	_ =	shalt  }
0x4d: {  	_ =	shalt  }
0x4e: {  	_ =	shalt  }
0x4f: {  	_ =	shalt  }
0x50: {  	_ =	shalt  }
0x51: {  	_ =	shalt  }
0x52: {  	_ =	shalt  }
0x53: {  	_ =	shalt  }
0x54: {  	_ =	shalt  }
0x55: {  	_ =	shalt  }
0x56: {  	_ =	shalt  }
0x57: {  	_ =	shalt  }
0x58: {  	_ =	shalt  }
0x59: {  	_ =	shalt  }
0x5a: {  	_ =	shalt  }
0x5b: {  	_ =	shalt  }
0x5c: {  	_ =	shalt  }
0x5d: {  	_ =	shalt  }
0x5e: {  	_ =	shalt  }
0x5f: {  	_ =	shalt  }
0x60: {  	_ =	shalt  }
0x61: {  	_ =	shalt  }
0x62: {  	_ =	shalt  }
0x63: {  	_ =	shalt  }
0x64: {  	_ =	shalt  }
0x65: {  	_ =	shalt  }
0x66: {  	_ =	shalt  }
0x67: {  	_ =	shalt  }
0x68: {  	_ =	shalt  }
0x69: {  	_ =	shalt  }
0x6a: {  	_ =	shalt  }
0x6b: {  	_ =	shalt  }
0x6c: {  	_ =	shalt  }
0x6d: {  	_ =	shalt  }
0x6e: {  	_ =	shalt  }
0x6f: {  	_ =	shalt  }
0x70: {  	_ =	shalt  }
0x71: {  	_ =	shalt  }
0x72: {  	_ =	shalt  }
0x73: {  	_ =	shalt  }
0x74: {  	_ =	shalt  }
0x75: {  	_ =	shalt  }
0x76: {  	_ =	shalt  }
0x77: {  	_ =	shalt  }
0x78: {  	_ =	shalt  }
0x79: {  	_ =	shalt  }
0x7a: {  	_ =	shalt  }
0x7b: {  	_ =	shalt  }
0x7c: {  	_ =	shalt  }
0x7d: {  	_ =	shalt  }
0x7e: {  	_ =	shalt  }
0x7f: {  	_ =	shalt  }
0x80: {  	_ =	shalt  }
0x81: {  	_ =	shalt  }
0x82: {  	_ =	shalt  }
0x83: {  	_ =	shalt  }
0x84: {  	_ =	shalt  }
0x85: {  	_ =	shalt  }
0x86: {  	_ =	shalt  }
0x87: {  	_ =	shalt  }
.Lfunc_end0:
.L_simem_size_0:
called_computation_lowered:
.L_overlay_start_0:
0x88: {  	s2 =	sld [smem:$0x3FD9]  }
0x89: {  	s3 =	sld [smem:$0x3FFE];
	_ =	sdelay $0x1  }
0x8a: {  	s1 =	srdreg.scid  }
0x8b: {  	s0 =	sand.u32 $0x1, s1  }
0x8c: {  	s17 =	sshll.u32 s0, $0xA;
	s2 =	sadd.s32 s3, s2  }
0x8d: {  	s2 =	sadd.s32 s2, s17  }
0x8e: {  	[smem:$0x3FC3] =	sst s2  }
0x8f: {  	_ = 	snop  }
0x90: {  	s2 =	sld [smem:$0x3FC9]  }
0x91: {  	s18 =	sld [smem:$0x3FC8]  }
0x92: {  	s4 =	sld [smem:$0x3FD0];
	(tm) =	ssettm $0x1  }
0x93: {  	s5 =	sld [smem:$0x3FFB];
	_ =	sdelay $0x3  }
0x94: {  	_ =	strace s5  }
0x95: {  	s5 =	sld [smem:$0x3FFC];
	_ =	sdelay $0x3  }
0x96: {  	_ =	strace s5  }
0x97: {  	s5 =	sld [smem:$0x3FFD];
	_ =	sdelay $0x3  }
0x98: {  	_ =	strace s5  }
0x99: {  	_ =	strace $0x8FFFFFFF  }
0x9a: {  	s19 =	sld [smem:$0x3FDB];
	_ =	sdelay $0x1  }
0x9b: {  	s6 =	simm.s32 $_scs_section_size  }
0x9c: {  	s7 =	simm.s32 $_size__tile_overlayer_lowered;
	s8 =	simm.s32 $_tile_overlayer_lowered  }
0x9d: {  	s22 =	simm.s32 $0x1BFF;
	s21 =	sshll.u32 s8, $0x1;
	s5 =	sadd.s32 s6, s19  }
0x9e: {  	s9 =	simm.s32 $0x0;
	s20 =	sshll.u32 s7, $0x1;
	s7 =	sadd.s32 s21, s5  }
0x9f: {  	[timem:s9], [sflag:s22] =	dma.local [hbm:s7], s20  }
0xa0: {  	_ =	swait.ge [sflag:s22], s20  }
0xa1: {  	s6 =	ssub.s32 $0x0, s20;
	[sflag:s22] =	ssyncset.done $0x0  }
0xa2: {  	[sflag:s22] =	ssyncadd.s32 s6;
	_ =	sdelay $0x1  }
0xa3: {  	s23 =	simm.s32 $0x1B8B  }
0xa4: {  	_ =	swait.ge [sflag:s23], $0x1  }
0xa5: {  	[sflag:s23] =	ssyncset.done $0x0  }
0xa6: {  	s25 =	simm.s32 $0x1B8E;
	s24 =	sld [smem:$0x3FFE];
	[sflag:s23] =	ssyncadd.s32 $0xFFFFFFFF  }
0xa7: {  	s26 =	simm.s32 $execute0_lowered;
	[smem:$0x3FD2] =	sst s25  }
0xa8: {  	s7 =	sshll.u32 s26, $0x1;
	_ =	strace $0x80000046;
	[dreg:$0x1] =	wrdreg $0xFFFFFFFF  }
0xa9: {  	s28 =	simm.s32 $_size_execute0_lowered;
	s5 =	sadd.s32 s5, s7;
	[dreg:$0x0] =	wrdreg $0x0  }
0xaa: {  	s7 =	sshll.u32 s28, $0x1;
	[dreg:$0x2] =	wrdreg s5  }
0xab: {  	[dreg:$0x3] =	wrdreg s7  }
0xac: {  	[dreg:$0x4] =	wrdreg $0xC0  }
0xad: {  	_ =	task [dreg:s9], $0x5FFFF  }
0xae: {  	[dreg:$0x1] =	wrdreg $0xFFFFFFFF  }
0xaf: {  	[dreg:$0x0] =	wrdreg $0x60  }
0xb0: {  	[dreg:$0x2] =	wrdreg s2  }
0xb1: {  	[dreg:$0x3] =	wrdreg s18  }
0xb2: {  	[dreg:$0x4] =	wrdreg s24  }
0xb3: {  	[dreg:$0x5] =	wrdreg s4  }
0xb4: {  	[dreg:$0x6] =	wrdreg $0x9  }
0xb5: {  	_ =	task.clear_ibuf [dreg:s9], $0x7FFFF;
	_ =	strace $0x90000046  }
0xb6: {  	s29 =	simm.s32 $0x9;
	_ =	strace $0x80000048  }
0xb7: {  	_ =	swait.ge [sflag:s29], $0x1  }
0xb8: {  	[sflag:s29] =	ssyncadd.s32 $0xFFFFFFFF  }
0xb9: {  	_ =	strace $0x90000048  }
0xba: {  	_ =	sfence  }
0xbb: {  	s30 =	sld [smem:$0x0];
	_ =	sdelay $0x2  }
0xbc: {  	s31 =	sshll.u32 s1, $0xD;
	s1 =	sshrl.u32 s1, $0x2  }
0xbd: {  	s3 =	sand.u32 $0x4000, s31;
	s1 =	sadd.s32 s1, s30  }
0xbe: {  	s0 =	sor.u32 s3, s0;
	s1 =	sshll.u32 s1, $0x11  }
0xbf: {  	s0 =	sor.u32 s1, s0  }
0xc0: {  	s0 =	sadd.s32 $0x8F2B, s0  }
0xc1: {  	[sflag:s0] =	ssyncadd.remote.s32 $0x1  }
0xc2: {  	_ =	sfence.sel $0xFFFF  }
0xc3: {  	[dreg:$0x0] =	wrdreg $0xFFFFFFFF;
	(pc) =	sbr.abs _section_cstart, $3  }
0xc4: {  	[dreg:$0x1] =	wrdreg $0xFFFFFFFF  }
0xc5: {  	_ =	task.clear_ibuf [dreg:s9], $0x2FFFF;
	_ =	strace $0x9FFFFFFF  }
0xc6: {  	(tm) =	ssettm $0x7FFFFFFF  }
0xc7: {  	_ =	shalt  }
tec
execute0_lowered:
.L_overlay_start_1:
0x0: {  	(tag) =	ssettag $0x1  }
0x1: {  	s5 =	rddreg [dreg:$0x0]  }
0x2: {  	s6 =	rddreg [dreg:$0x1]  }
0x3: {  	s7 =	rddreg [dreg:$0x2]  }
0x4: {  	s8 =	rddreg [dreg:$0x3]  }
0x5: {  	s0 =	rddreg [dreg:$0x4];
	s1 =	simm.s32 $0x0;
	s2 =	srdreg.scid  }
0x6: {  	s13 =	simm.s32 $0x1;
	s14 =	simm.s32 $0x400;
	s15 =	simm.s32 $0x2  }
0x7: {  	s16 =	simm.s32 $0x600;
	[smem:$0x7FF] =	sst s1;
	s4 =	sand.u32 $0x1, s2  }
0x8: {  	s3 =	sadd.s32 $0x600, s7;
	s2 =	stileid.u32;
	_ =	strace $0x80000047  }
0x9: {  	s9 =	ssub.s32 $0x2, s4;
	s11 =	sshll.u32 s2, $0x7;
	s12 =	sshll.u32 s4, $0x6  }
0xa: {  	s4 =	sadd.s32 $0x1F000, s7;
	s7 =	sadd.s32 $0x1EE48, s7;
	s10 =	sshrl.u32 s9, $0x1  }
0xb: {  	s31 =	sor.u32 s12, s11;
	s11 =	simm.s32 $0x800;
	s12 =	simm.s32 $0x3  }
0xc: {  	s9 =	ssub.s32 s9, s10;
	s5 =	sadd.s32 s5, s31;
	s6 =	sadd.s32 s6, s31  }
0xd: {  	s8 =	sadd.s32 s8, s31;
	s10 =	simm.s32 $0x200;
	s9 =	smax.u32 s9, $0x1  }
.LBB2_1:
0xe: {  	[tilespmem:s1], [sflag:$0x1] =	stream.linear.gather [hbm4b:s5+s1], $0x200, $0x38;
	[tilespmem:$0x880] =	vst v63  }
0xf: {  	_ = 	snop  }
0x10: {  	[tilespmem:s10], [sflag:$0x2] =	stream.linear.gather [hbm4b:s6+s1], $0x200, $0x38;
	[tilespmem:$0x880] =	vst v63  }
0x11: {  	_ = 	snop  }
0x12: {  	[tilespmem:s11], [sflag:$0x3] =	stream.linear.gather [hbm4b:s7+s1], $0x10, $0x38;
	[tilespmem:$0x880] =	vst v63  }
0x13: {  	_ =	swait.ge [sflag:s12], $0x10  }
0x14: {  	[sflag:s12] =	ssyncset.done $0x0  }
0x15: {  	[sflag:s12] =	ssyncadd.s32 $0xFFFFFFF0  }
0x16: {  	v0 =	vld [tilespmem:$0x800];
	_ =	swait.ge [sflag:s13], $0x200  }
0x17: {  	[sflag:s13] =	ssyncset.done $0x0  }
0x18: {  	[sflag:s13] =	ssyncadd.s32 $0xFFFFFE00  }
0x19: {  	[tilespmem:s14], [sflag:$0x1] =	stream.indirect.gather [hbm4b:s3+s10], $0x1, s1, s10, $0xb8;
	[tilespmem:$0x880] =	vst v63  }
0x1a: {  	_ =	swait.ge [sflag:s15], $0x200  }
0x1b: {  	[sflag:s15] =	ssyncset.done $0x0  }
0x1c: {  	[sflag:s15] =	ssyncadd.s32 $0xFFFFFE00  }
0x1d: {  	[tilespmem:s16], [sflag:$0x2] =	stream.indirect.gather [hbm4b:s4+s10], $0x1, s10, s10, $0xb8;
	[tilespmem:$0x880] =	vst v63  }
0x1e: {  	_ =	swait.ge [sflag:s13], $0x200  }
0x1f: {  	[sflag:s13] =	ssyncset.done $0x0  }
0x20: {  	[sflag:s13] =	ssyncadd.s32 $0xFFFFFE00  }
0x21: {  	_ =	swait.ge [sflag:s15], $0x200  }
0x22: {  	[sflag:s15] =	ssyncset.done $0x0  }
0x23: {  	[sflag:s15] =	ssyncadd.s32 $0xFFFFFE00  }
0x24: {  	v1 =	vld [tilespmem:$0x400]  }
0x25: {  	v2 =	vld [tilespmem:$0x600]  }
0x26: {  	v3 =	vld [tilespmem:$0x410]  }
0x27: {  	v4 =	vld [tilespmem:$0x610]  }
0x28: {  	v5 =	vld [tilespmem:$0x420]  }
0x29: {  	v6 =	vld [tilespmem:$0x620]  }
0x2a: {  	v7 =	vld [tilespmem:$0x430]  }
0x2b: {  	v8 =	vld [tilespmem:$0x630]  }
0x2c: {  	v9 =	vld [tilespmem:$0x440]  }
0x2d: {  	v10 =	vld [tilespmem:$0x640]  }
0x2e: {  	v11 =	vld [tilespmem:$0x450]  }
0x2f: {  	v12 =	vld [tilespmem:$0x650]  }
0x30: {  	v13 =	vld [tilespmem:$0x460]  }
0x31: {  	v14 =	vld [tilespmem:$0x660]  }
0x32: {  	v15 =	vld [tilespmem:$0x470]  }
0x33: {  	v16 =	vld [tilespmem:$0x670]  }
0x34: {  	v17 =	vld [tilespmem:$0x480]  }
0x35: {  	v18 =	vld [tilespmem:$0x680]  }
0x36: {  	v19 =	vld [tilespmem:$0x490]  }
0x37: {  	v20 =	vld [tilespmem:$0x690]  }
0x38: {  	v21 =	vld [tilespmem:$0x4A0]  }
0x39: {  	v22 =	vld [tilespmem:$0x6A0]  }
0x3a: {  	v23 =	vld [tilespmem:$0x4B0]  }
0x3b: {  	v24 =	vld [tilespmem:$0x6B0]  }
0x3c: {  	v25 =	vld [tilespmem:$0x4C0]  }
0x3d: {  	v26 =	vld [tilespmem:$0x6C0]  }
0x3e: {  	v27 =	vld [tilespmem:$0x4D0]  }
0x3f: {  	v28 =	vld [tilespmem:$0x6D0]  }
0x40: {  	v29 =	vld [tilespmem:$0x4E0]  }
0x41: {  	v30 =	vld [tilespmem:$0x6E0]  }
0x42: {  	v31 =	vld [tilespmem:$0x4F0]  }
0x43: {  	v32 =	vld [tilespmem:$0x6F0]  }
0x44: {  	v33 =	vld [tilespmem:$0x500]  }
0x45: {  	v34 =	vld [tilespmem:$0x700]  }
0x46: {  	v35 =	vld [tilespmem:$0x510]  }
0x47: {  	v36 =	vld [tilespmem:$0x710]  }
0x48: {  	v37 =	vld [tilespmem:$0x520]  }
0x49: {  	v45 =	vld [tilespmem:$0x760];
	v1 =	vadd.f32 v2, v1;
	v3 =	vadd.f32 v4, v3  }
0x4a: {  	v48 =	vld [tilespmem:$0x570];
	v5 =	vadd.f32 v6, v5;
	v7 =	vadd.f32 v8, v7  }
0x4b: {  	v51 =	vld [tilespmem:$0x770];
	v62 =	vadd.f32 v10, v9;
	v1 =	vadd.f32 v1, v0  }
0x4c: {  	v54 =	vld [tilespmem:$0x580];
	v38 =	vadd.f32 v12, v11;
	v3 =	vadd.f32 v3, v0  }
0x4d: {  	v57 =	vld [tilespmem:$0x780];
	v40 =	vadd.f32 v14, v13;
	v61 =	vadd.f32 v5, v0;
	[tilespmem:$0x400] =	vst v1  }
0x4e: {  	v60 =	vld [tilespmem:$0x590];
	v42 =	vadd.f32 v16, v15;
	v63 =	vadd.f32 v7, v0;
	[tilespmem:$0x410] =	vst v3  }
0x4f: {  	v2 =	vld [tilespmem:$0x720];
	v44 =	vadd.f32 v18, v17;
	v39 =	vadd.f32 v62, v0;
	[tilespmem:$0x420] =	vst v61  }
0x50: {  	v4 =	vld [tilespmem:$0x530];
	v47 =	vadd.f32 v20, v19;
	v41 =	vadd.f32 v38, v0;
	[tilespmem:$0x430] =	vst v63  }
0x51: {  	v6 =	vld [tilespmem:$0x730];
	v50 =	vadd.f32 v22, v21;
	v43 =	vadd.f32 v40, v0;
	[tilespmem:$0x440] =	vst v39  }
0x52: {  	v8 =	vld [tilespmem:$0x540];
	v53 =	vadd.f32 v24, v23;
	v46 =	vadd.f32 v42, v0;
	[tilespmem:$0x450] =	vst v41  }
0x53: {  	v9 =	vld [tilespmem:$0x740];
	v56 =	vadd.f32 v26, v25;
	v49 =	vadd.f32 v44, v0;
	[tilespmem:$0x460] =	vst v43  }
0x54: {  	v10 =	vld [tilespmem:$0x550];
	v59 =	vadd.f32 v28, v27;
	v52 =	vadd.f32 v47, v0;
	[tilespmem:$0x470] =	vst v46  }
0x55: {  	v11 =	vld [tilespmem:$0x750];
	v25 =	vadd.f32 v32, v31;
	v55 =	vadd.f32 v50, v0;
	[tilespmem:$0x480] =	vst v49  }
0x56: {  	v12 =	vld [tilespmem:$0x560];
	v28 =	vadd.f32 v34, v33;
	v58 =	vadd.f32 v53, v0;
	[tilespmem:$0x490] =	vst v52  }
0x57: {  	v26 =	vld [tilespmem:$0x5A0];
	v31 =	vadd.f32 v36, v35;
	v24 =	vadd.f32 v59, v0;
	[tilespmem:$0x4A0] =	vst v55  }
0x58: {  	v32 =	vld [tilespmem:$0x5B0];
	v62 =	vadd.f32 v30, v29;
	v30 =	vadd.f32 v25, v0;
	[tilespmem:$0x4B0] =	vst v58  }
0x59: {  	v34 =	vld [tilespmem:$0x7B0];
	v33 =	vadd.f32 v28, v0;
	[tilespmem:$0x4D0] =	vst v24  }
0x5a: {  	v36 =	vld [tilespmem:$0x5C0];
	v35 =	vadd.f32 v31, v0;
	[tilespmem:$0x4F0] =	vst v30  }
0x5b: {  	v29 =	vld [tilespmem:$0x7A0];
	v47 =	vadd.f32 v51, v48;
	v61 =	vadd.f32 v56, v0;
	[tilespmem:$0x500] =	vst v33  }
0x5c: {  	v42 =	vld [tilespmem:$0x5D0];
	v50 =	vadd.f32 v57, v54;
	v27 =	vadd.f32 v62, v0;
	[tilespmem:$0x510] =	vst v35  }
0x5d: {  	v48 =	vld [tilespmem:$0x5E0];
	v52 =	vadd.f32 v47, v0;
	v2 =	vadd.f32 v2, v37;
	[tilespmem:$0x4C0] =	vst v61  }
0x5e: {  	v51 =	vld [tilespmem:$0x7E0];
	v55 =	vadd.f32 v50, v0;
	v4 =	vadd.f32 v6, v4;
	[tilespmem:$0x4E0] =	vst v27  }
0x5f: {  	v54 =	vld [tilespmem:$0x5F0];
	v38 =	vadd.f32 v9, v8;
	[tilespmem:$0x570] =	vst v52;
	v37 =	vadd.f32 v2, v0  }
0x60: {  	v63 =	vld [tilespmem:$0x790];
	v41 =	vadd.f32 v11, v10;
	[tilespmem:$0x580] =	vst v55;
	v40 =	vadd.f32 v4, v0  }
0x61: {  	v39 =	vld [tilespmem:$0x7C0];
	v44 =	vadd.f32 v45, v12;
	v43 =	vadd.f32 v38, v0;
	[tilespmem:$0x520] =	vst v37  }
0x62: {  	v45 =	vld [tilespmem:$0x7D0];
	v58 =	vadd.f32 v34, v32;
	v46 =	vadd.f32 v41, v0;
	[tilespmem:$0x530] =	vst v40  }
0x63: {  	v57 =	vld [tilespmem:$0x7F0];
	v49 =	vadd.f32 v44, v0;
	v56 =	vadd.f32 v29, v26;
	[tilespmem:$0x540] =	vst v43  }
0x64: {  	v3 =	vadd.f32 v58, v0;
	v61 =	vadd.f32 v51, v48;
	[tilespmem:$0x550] =	vst v46  }
0x65: {  	v53 =	vadd.f32 v63, v60;
	[tilespmem:$0x560] =	vst v49;
	v2 =	vadd.f32 v56, v0  }
0x66: {  	v59 =	vadd.f32 v39, v36;
	[tilespmem:$0x5B0] =	vst v3;
	v63 =	vadd.f32 v61, v0  }
0x67: {  	v60 =	vadd.f32 v45, v42;
	v4 =	vadd.f32 v53, v0;
	[tilespmem:$0x5A0] =	vst v2  }
0x68: {  	v62 =	vadd.f32 v57, v54;
	v1 =	vadd.f32 v59, v0;
	[tilespmem:$0x5E0] =	vst v63  }
0x69: {  	[tilespmem:$0x590] =	vst v4;
	v4 =	vadd.f32 v60, v0  }
0x6a: {  	[tilespmem:$0x5C0] =	vst v1;
	v0 =	vadd.f32 v62, v0  }
0x6b: {  	p0 =	sne.s32 s9, $0x1;
	[tilespmem:$0x5D0] =	vst v4  }
.Ltmp0:
0x6c: {  	[tilespmem:$0x5F0] =	vst v0;
	(pc) =	sbr.rel @p0 .LBB2_1-.Ltmp0, $4  }
0x6d: {  	[hbm4b:s8+s1] =	stream.linear.scatter [tilespmem:s14], [sflag:$0x3], $0x200, $0x38;
	[tilespmem:$0x880] =	vst v63  }
0x6e: {  	_ =	swait.ge [sflag:s12], $0x200  }
0x6f: {  	[sflag:s12] =	ssyncset.done $0x0  }
0x70: {  	s9 =	sadd.s32 $0xFFFFFFFF, s9;
	[sflag:s12] =	ssyncadd.s32 $0xFFFFFE00  }
0x71: {  	_ =	sfence.sel $0x180000  }
0x72: {  	[bflag:$0x0] =	sbarrier.arrive $0xFFFF  }
0x73: {  	p0 =	sne.s32 s2, $0x0;
	_ =	strace $0x90000047  }
0x74: {  	s0 =	sadd.s32 @!p0 $0x100000, s0;
	[bflag:$0x2] =	sbarrier.arrive $0xFFFF  }
0x75: {  	[sflag:s0] =	ssyncadd.tile.s32 @!p0 $0x1;
	_ =	shalt  }
.Lfunc_end2:
_tile_overlayer_lowered:
.L_overlay_start_2:
0x76: {  	(tag) =	ssettag $0x2  }
0x77: {  	s0 =	rddreg [dreg:$0x0];
	s2 =	stileid.u32  }
0x78: {  	s1 =	rddreg [dreg:$0x1];
	p0 =	sne.s32 s2, $0x0  }
0x79: {  	s3 =	rddreg [dreg:$0x2];
	[bflag:$0x3] =	sbarrier.arrive $0xFFFF;
	s2 =	simm.s32 @!p0 $0x1C03  }
0x7a: {  	[timem:s3], [sflag:s2] =	dma.local @!p0 [hbm:s0], s1  }
0x7b: {  	s0 =	simm.s32 @!p0 $0x3  }
0x7c: {  	_ =	swait.ge @!p0 [sflag:s0], s1  }
0x7d: {  	s1 =	ssub.s32 @!p0 $0x0, s1;
	[sflag:s0] =	ssyncset.done @!p0 $0x0  }
0x7e: {  	[sflag:s0] =	ssyncadd.s32 @!p0 s1  }
0x7f: {  	[bflag:$0x3] =	sbarrier.arrive $0xFFFF  }
0x80: {  	_ =	shalt  }

</sc_bundles>
